<compile_context>
chip_gen: v7x
topology: tpu7x:2x2x1
jax: 0.10.2.dev20260603
libtpu: 0.0.44.dev20260713+nightly
codegen_flags: <defaults>
</compile_context>

<pallas_src>
import functools

import jax
import jax.numpy as jnp
from jax import lax
from jax.experimental import pallas as pl
from jax.experimental.pallas import tpu as pltpu
from jax.experimental.pallas import tpu_sc as plsc

B = 16384
SKILL_LEN = 50
NC, NS = 2, 16
NW = NC * NS
BPW = B // NW
SPC = 8
SK_CHUNK = SPC * SKILL_LEN
NCHUNK = BPW // SPC
GRP = 10

_SC_PARAMS = dict(
    compiler_params=pltpu.CompilerParams(use_tc_tiling_on_sc=False,
                                         needs_layout_passes=False))


def _sc_features_body(job_hbm, cat_hbm, loc_hbm,
                      job_t, cat_t, loc_t,
                      feat_hbm,
                      idxa, idxb, r32a, r32b, r64,
                      gsem0, gsem1, wsem):
    sid = lax.axis_index("s")
    wid = sid * NC + lax.axis_index("c")
    rows = pl.ds(wid * BPW, BPW)

    pltpu.sync_copy(job_hbm.at[rows], idxa)
    g_job = pltpu.async_copy(job_t.at[idxa], r32a, gsem0)
    pltpu.sync_copy(loc_hbm.at[rows], idxb)
    g_loc = pltpu.async_copy(loc_t.at[idxb], r32b, gsem1)
    pltpu.sync_copy(cat_hbm.at[rows], idxa)
    g_cat = pltpu.async_copy(cat_t.at[idxa], r64, gsem0)
    g_job.wait()
    w_job = pltpu.async_copy(r32a, feat_hbm.at[rows, pl.ds(0, 32)], wsem)
    g_loc.wait()
    w_loc = pltpu.async_copy(r32b, feat_hbm.at[rows, pl.ds(96, 32)], wsem)
    g_cat.wait()
    w_cat = pltpu.async_copy(r64, feat_hbm.at[rows, pl.ds(32, 64)], wsem)
    w_job.wait()
    w_loc.wait()
    w_cat.wait()


@jax.jit
def _sc_features(job_id, category, location, job_t, cat_t, loc_t):
    bf16 = jnp.bfloat16
    i32 = jnp.int32
    scratch = [
        pltpu.VMEM((BPW,), i32),
        pltpu.VMEM((BPW,), i32),
        pltpu.VMEM((BPW, 32), bf16),
        pltpu.VMEM((BPW, 32), bf16),
        pltpu.VMEM((BPW, 64), bf16),
        pltpu.SemaphoreType.DMA,
        pltpu.SemaphoreType.DMA,
        pltpu.SemaphoreType.DMA,
    ]
    mesh = plsc.VectorSubcoreMesh(core_axis_name="c", subcore_axis_name="s")
    k = pl.kernel(_sc_features_body,
                  out_type=jax.ShapeDtypeStruct((B, 128), bf16),
                  mesh=mesh, scratch_types=scratch, **_SC_PARAMS)
    return k(job_id, category, location, job_t, cat_t, loc_t)


def _sc_skill_body(tok_hbm, skill_t_hbm, out_hbm,
                   tok0, tok1, sr0, sr1, out_v, skill_t,
                   gsem0, gsem1, lsem0, lsem1):
    sid = lax.axis_index("s")
    wid = sid * NC + lax.axis_index("c")
    vrows = 10000 // NS
    pltpu.sync_copy(skill_t_hbm.at[pl.ds(sid * vrows, vrows), :],
                    skill_t.at[pl.ds(sid * vrows, vrows), :])
    plsc.subcore_barrier()
    sbase = wid * BPW * SKILL_LEN

    def load_tok(c, tok_v, sem):
        return pltpu.async_copy(
            tok_hbm.at[pl.ds(sbase + c * SK_CHUNK, SK_CHUNK)], tok_v, sem)

    def fire_gather(tok_v, sr_v, sem):
        return pltpu.async_copy(skill_t.at[tok_v], sr_v, sem)

    def wait_gather(tok_v, sr_v, sem):
        pltpu.make_async_copy(skill_t.at[tok_v], sr_v, sem).wait()

    def wait_tok(c, tok_v, sem):
        pltpu.make_async_copy(
            tok_hbm.at[pl.ds(sbase + c * SK_CHUNK, SK_CHUNK)], tok_v,
            sem).wait()

    def reduce_chunk(c, sr_v):
        for s in range(SPC):
            r0 = s * SKILL_LEN
            row = c * SPC + s
            p0, p1 = [], []
            for g in range(SKILL_LEN // GRP):
                b0 = r0 + g * GRP
                a0, a1 = plsc.unpack(sr_v[b0, :],
                                     format=plsc.PackFormat.INTERLEAVED,
                                     preferred_element_type=jnp.float32)
                for j in range(1, GRP):
                    u0, u1 = plsc.unpack(sr_v[b0 + j, :],
                                         format=plsc.PackFormat.INTERLEAVED,
                                         preferred_element_type=jnp.float32)
                    a0 = a0 + u0
                    a1 = a1 + u1
                p0.append(a0)
                p1.append(a1)
            t0 = (p0[0] + p0[1]) + (p0[2] + p0[3]) + p0[4]
            t1 = (p1[0] + p1[1]) + (p1[2] + p1[3]) + p1[4]
            out_v[row, :] = plsc.pack(t0, t1,
                                      format=plsc.PackFormat.INTERLEAVED,
                                      preferred_element_type=jnp.bfloat16)

    load_tok(0, tok0, lsem0).wait()
    fire_gather(tok0, sr0, gsem0)
    load_tok(1, tok1, lsem1).wait()
    fire_gather(tok1, sr1, gsem1)

    @pl.loop(0, NCHUNK - 2, step=2)
    def _(c):
        wait_gather(tok0, sr0, gsem0)
        load_tok(c + 2, tok0, lsem0)
        reduce_chunk(c, sr0)
        wait_tok(c + 2, tok0, lsem0)
        fire_gather(tok0, sr0, gsem0)
        wait_gather(tok1, sr1, gsem1)
        load_tok(c + 3, tok1, lsem1)
        reduce_chunk(c + 1, sr1)
        wait_tok(c + 3, tok1, lsem1)
        fire_gather(tok1, sr1, gsem1)

    wait_gather(tok0, sr0, gsem0)
    reduce_chunk(NCHUNK - 2, sr0)
    wait_gather(tok1, sr1, gsem1)
    reduce_chunk(NCHUNK - 1, sr1)

    pltpu.sync_copy(out_v, out_hbm.at[pl.ds(wid * BPW, BPW), :])


@jax.jit
def _sc_skill(tok_flat, skill_t):
    bf16 = jnp.bfloat16
    i32 = jnp.int32
    scratch = [
        pltpu.VMEM((SK_CHUNK,), i32),
        pltpu.VMEM((SK_CHUNK,), i32),
        pltpu.VMEM((SK_CHUNK, 32), bf16),
        pltpu.VMEM((SK_CHUNK, 32), bf16),
        pltpu.VMEM((BPW, 32), bf16),
        pltpu.VMEM_SHARED((10000, 32), bf16),
        pltpu.SemaphoreType.DMA,
        pltpu.SemaphoreType.DMA,
        pltpu.SemaphoreType.DMA,
        pltpu.SemaphoreType.DMA,
    ]
    mesh = plsc.VectorSubcoreMesh(core_axis_name="c", subcore_axis_name="s")
    k = pl.kernel(_sc_skill_body,
                  out_type=jax.ShapeDtypeStruct((B, 32), bf16),
                  mesh=mesh, scratch_types=scratch, **_SC_PARAMS)
    return k(tok_flat, skill_t)


BB = 2048


def _mlp_body(fa, sk, lev, W1a, W1b, Wlev, b1, W2, b2, W3, b3, out):
    h = jnp.dot(fa[...], W1a[...], preferred_element_type=jnp.float32)
    h = h + jnp.dot(sk[...], W1b[...], preferred_element_type=jnp.float32)
    ids = lev[...]
    onehot = (jax.lax.broadcasted_iota(jnp.int32, (BB, 16), 1)
              == ids[:, None]).astype(jnp.bfloat16)
    h = h + jnp.dot(onehot, Wlev[...], preferred_element_type=jnp.float32)
    h = jnp.maximum(h + b1[...], 0.0)
    h = jnp.maximum(jnp.dot(h.astype(jnp.bfloat16), W2[...],
                            preferred_element_type=jnp.float32) + b2[...], 0.0)
    out[...] = jnp.dot(h.astype(jnp.bfloat16), W3[...],
                       preferred_element_type=jnp.float32) + b3[...]


@jax.jit
def _tc_mlp(fa, sk, lev, W1a, W1b, Wlev, b1, W2, b2, W3, b3):
    nb = B // BB
    full = lambda a: pl.BlockSpec(a.shape, lambda i: tuple(0 for _ in a.shape))
    return pl.pallas_call(
        _mlp_body,
        grid=(nb,),
        in_specs=[pl.BlockSpec((BB, 128), lambda i: (i, 0)),
                  pl.BlockSpec((BB, 32), lambda i: (i, 0)),
                  pl.BlockSpec((BB,), lambda i: (i,)),
                  full(W1a), full(W1b), full(Wlev), full(b1),
                  full(W2), full(b2), full(W3), full(b3)],
        out_specs=pl.BlockSpec((BB, 64), lambda i: (i, 0)),
        out_shape=jax.ShapeDtypeStruct((B, 64), jnp.float32),
    )(fa, sk, lev, W1a, W1b, Wlev, b1, W2, b2, W3, b3)


def kernel(job_id, category, location, level, skill_tokens,
           job_table, category_table, location_table, level_table, skill_table,
           W1, b1, W2, b2, W3, b3):
    bf16 = jnp.bfloat16
    fa = _sc_features(job_id, category, location,
                      job_table.astype(bf16), category_table.astype(bf16),
                      location_table.astype(bf16))
    sk = _sc_skill(skill_tokens.reshape(-1), skill_table.astype(bf16))
    W1a = W1[:128].astype(bf16)
    W1b = (W1[160:] * (1.0 / SKILL_LEN)).astype(bf16)
    Wlev = jnp.zeros((16, 256), jnp.float32).at[:11].set(
        level_table @ W1[128:160]).astype(bf16)
    return _tc_mlp(fa, sk, level, W1a, W1b, Wlev, b1,
                   W2.astype(bf16), b2, W3.astype(bf16), b3)

# --- scband reference (transcript-rebuilt; emitter-appended) ---
"""Pipeline reference for scband-candidate-model-79886391706279 (READ-ONLY COPY).

The authoritative reference and input builder live on the scoring server;
editing this copy changes nothing except your own understanding.
"""

import jax, jax.numpy as jnp
import numpy as np

B = 16384
JOB_VOCAB = 100001
CAT_VOCAB = 1001
LOC_VOCAB = 10001
LEV_VOCAB = 11
SKILL_VOCAB = 10000
SKILL_LEN = 50
FEAT_DIM = 32 + 64 + 32 + 32 + 32  # 192


def setup_inputs(seed: int = 0) -> dict:
    key = jax.random.key(seed)
    ks = jax.random.split(key, 16)
    job_id = jax.random.randint(ks[0], (B,), 0, JOB_VOCAB, dtype=jnp.int64 if jax.config.jax_enable_x64 else jnp.int32).astype(jnp.int32)
    category = jax.random.randint(ks[1], (B,), 0, CAT_VOCAB).astype(jnp.int32)
    location = jax.random.randint(ks[2], (B,), 0, LOC_VOCAB).astype(jnp.int32)
    level = jax.random.randint(ks[3], (B,), 0, LEV_VOCAB).astype(jnp.int32)
    skill_tokens = jax.random.randint(ks[4], (B, SKILL_LEN), 0, SKILL_VOCAB).astype(jnp.int32)
    job_table = jax.random.normal(ks[5], (JOB_VOCAB, 32), dtype=jnp.float32) * 0.05
    category_table = jax.random.normal(ks[6], (CAT_VOCAB, 64), dtype=jnp.float32) * 0.05
    location_table = jax.random.normal(ks[7], (LOC_VOCAB, 32), dtype=jnp.float32) * 0.05
    level_table = jax.random.normal(ks[8], (LEV_VOCAB, 32), dtype=jnp.float32) * 0.05
    skill_table = jax.random.normal(ks[9], (SKILL_VOCAB, 32), dtype=jnp.float32) * 0.05
    W1 = jax.random.normal(ks[10], (FEAT_DIM, 256), dtype=jnp.float32) * (1.0 / np.sqrt(FEAT_DIM))
    b1 = jnp.zeros((256,), dtype=jnp.float32)
    W2 = jax.random.normal(ks[11], (256, 128), dtype=jnp.float32) * (1.0 / np.sqrt(256))
    b2 = jnp.zeros((128,), dtype=jnp.float32)
    W3 = jax.random.normal(ks[12], (128, 64), dtype=jnp.float32) * (1.0 / np.sqrt(128))
    b3 = jnp.zeros((64,), dtype=jnp.float32)
    return {
        'job_id': job_id, 'category': category, 'location': location,
        'level': level, 'skill_tokens': skill_tokens,
        'job_table': job_table, 'category_table': category_table,
        'location_table': location_table, 'level_table': level_table,
        'skill_table': skill_table,
        'W1': W1, 'b1': b1, 'W2': W2, 'b2': b2, 'W3': W3, 'b3': b3,
    }


def reference(job_id, category, location, level, skill_tokens,
              job_table, category_table, location_table, level_table, skill_table,
              W1, b1, W2, b2, W3, b3):
    # MovieModel.call: per-feature embedding lookups
    e_job = jnp.take(job_table, job_id, axis=0)            # [B, 32]
    e_cat = jnp.take(category_table, category, axis=0)     # [B, 64]
    e_loc = jnp.take(location_table, location, axis=0)     # [B, 32]
    e_lev = jnp.take(level_table, level, axis=0)           # [B, 32]
    # skill: TextVectorization -> Embedding -> GlobalAvgPool1D
    e_skill = jnp.mean(jnp.take(skill_table, skill_tokens, axis=0), axis=1)  # [B, 32]
    feat = jnp.concatenate([e_job, e_cat, e_loc, e_lev, e_skill], axis=1)    # [B, 192]
    # CandidateModel dense tower: Dense(256, relu) -> Dense(128, relu) -> Dense(64)
    h = jax.nn.relu(feat @ W1 + b1)
    h = jax.nn.relu(h @ W2 + b2)
    out = h @ W3 + b3
    return out

if __name__ == "__main__":
    import jax
    _d = setup_inputs()
    print(jax.jit(kernel)(*tuple(_d.values())))

</pallas_src>

<mosaic_0001>
#map = affine_map<(d0, d1) -> (0)>
#map1 = affine_map<(d0, d1) -> (0, 0)>
module attributes {stable_mosaic.version = 14 : i64} {
  func.func @_sc_features_body(%arg0: i32, %arg1: i32, %arg2: memref<16384xi32, #tpu.memory_space<hbm>>, %arg3: memref<16384xi32, #tpu.memory_space<hbm>>, %arg4: memref<16384xi32, #tpu.memory_space<hbm>>, %arg5: memref<100001x32xbf16, #tpu.memory_space<hbm>>, %arg6: memref<1001x64xbf16, #tpu.memory_space<hbm>>, %arg7: memref<10001x32xbf16, #tpu.memory_space<hbm>>, %arg8: memref<16384x128xbf16, #tpu.memory_space<hbm>>, %arg9: memref<512xi32, #tpu.memory_space<vmem>>, %arg10: memref<512xi32, #tpu.memory_space<vmem>>, %arg11: memref<512x32xbf16, #tpu.memory_space<vmem>>, %arg12: memref<512x32xbf16, #tpu.memory_space<vmem>>, %arg13: memref<512x64xbf16, #tpu.memory_space<vmem>>, %arg14: memref<!tpu.dma_semaphore, #tpu.memory_space<semaphore_mem>>, %arg15: memref<!tpu.dma_semaphore, #tpu.memory_space<semaphore_mem>>, %arg16: memref<!tpu.dma_semaphore, #tpu.memory_space<semaphore_mem>>) attributes {dimension_semantics = [#tpu.dimension_semantics<core_parallel>, #tpu.dimension_semantics<subcore_parallel>], iteration_bounds = array<i64: 2, 16>, scalar_prefetch = 0 : i64, scratch_operands = 8 : i64, tpu.core_type = #tpu.core_type<sc_vector_subcore>, window_params = [{transform_indices = #map}, {transform_indices = #map}, {transform_indices = #map}, {transform_indices = #map1}, {transform_indices = #map1}, {transform_indices = #map1}, {transform_indices = #map1}]} {
    %mul3A = arith.constant 2 : i32
    %mul3A_0 = arith.muli %arg1, %mul3A : i32
    %add3A = arith.addi %mul3A_0, %arg0 : i32
    %mul3A_1 = arith.constant 512 : i32
    %mul3A_2 = arith.muli %add3A, %mul3A_1 : i32
    "tpu.region"() ({
      %run_scoped3A = tpu.sem_alloc : memref<!tpu.dma_semaphore, #tpu.memory_space<semaphore_mem>>
      %dma_start3A_43 = tpu.memref_slice %arg2[%mul3A_2] : memref<16384xi32, #tpu.memory_space<hbm>> -> memref<512xi32, #tpu.memory_space<hbm>>
      %dma_start3A_44 = tpu.memref_slice %arg2[%mul3A_2] : memref<16384xi32, #tpu.memory_space<hbm>> -> memref<512xi32, #tpu.memory_space<hbm>>
      tpu.enqueue_dma source(%dma_start3A_44 : memref<512xi32, #tpu.memory_space<hbm>>) target(%arg9 : memref<512xi32, #tpu.memory_space<vmem>>) target_semaphore(%run_scoped3A : memref<!tpu.dma_semaphore, #tpu.memory_space<semaphore_mem>>)
      %dma_wait3A_45 = tpu.memref_slice %arg2[%mul3A_2] : memref<16384xi32, #tpu.memory_space<hbm>> -> memref<512xi32, #tpu.memory_space<hbm>>
      %dma_wait3A_46 = tpu.memref_slice %arg2[%mul3A_2] : memref<16384xi32, #tpu.memory_space<hbm>> -> memref<512xi32, #tpu.memory_space<hbm>>
      tpu.wait_dma2 semaphore(%run_scoped3A : memref<!tpu.dma_semaphore, #tpu.memory_space<semaphore_mem>>) src(%dma_wait3A_46 : memref<512xi32, #tpu.memory_space<hbm>>) dst(%arg9 : memref<512xi32, #tpu.memory_space<vmem>>)
      tpu.yield
    }) : () -> ()
    %dma_start3A = arith.constant 0 : i32
    %dma_start3A_3 = arith.constant 0 : i32
    %dma_start3A_4 = tpu.memref_slice %arg5[%dma_start3A, %dma_start3A_3] : memref<100001x32xbf16, #tpu.memory_space<hbm>> -> memref<100001x32xbf16, #tpu.memory_space<hbm>>
    tpu.enqueue_indirect_dma source(%dma_start3A_4 : memref<100001x32xbf16, #tpu.memory_space<hbm>>) target(%arg11 : memref<512x32xbf16, #tpu.memory_space<vmem>>) offsets(%arg9 : memref<512xi32, #tpu.memory_space<vmem>>) semaphore(%arg14 : memref<!tpu.dma_semaphore, #tpu.memory_space<semaphore_mem>>)
    "tpu.region"() ({
      %run_scoped3A = tpu.sem_alloc : memref<!tpu.dma_semaphore, #tpu.memory_space<semaphore_mem>>
      %dma_start3A_43 = tpu.memref_slice %arg4[%mul3A_2] : memref<16384xi32, #tpu.memory_space<hbm>> -> memref<512xi32, #tpu.memory_space<hbm>>
      %dma_start3A_44 = tpu.memref_slice %arg4[%mul3A_2] : memref<16384xi32, #tpu.memory_space<hbm>> -> memref<512xi32, #tpu.memory_space<hbm>>
      tpu.enqueue_dma source(%dma_start3A_44 : memref<512xi32, #tpu.memory_space<hbm>>) target(%arg10 : memref<512xi32, #tpu.memory_space<vmem>>) target_semaphore(%run_scoped3A : memref<!tpu.dma_semaphore, #tpu.memory_space<semaphore_mem>>)
      %dma_wait3A_45 = tpu.memref_slice %arg4[%mul3A_2] : memref<16384xi32, #tpu.memory_space<hbm>> -> memref<512xi32, #tpu.memory_space<hbm>>
      %dma_wait3A_46 = tpu.memref_slice %arg4[%mul3A_2] : memref<16384xi32, #tpu.memory_space<hbm>> -> memref<512xi32, #tpu.memory_space<hbm>>
      tpu.wait_dma2 semaphore(%run_scoped3A : memref<!tpu.dma_semaphore, #tpu.memory_space<semaphore_mem>>) src(%dma_wait3A_46 : memref<512xi32, #tpu.memory_space<hbm>>) dst(%arg10 : memref<512xi32, #tpu.memory_space<vmem>>)
      tpu.yield
    }) : () -> ()
    %dma_start3A_5 = arith.constant 0 : i32
    %dma_start3A_6 = arith.constant 0 : i32
    %dma_start3A_7 = tpu.memref_slice %arg7[%dma_start3A_5, %dma_start3A_6] : memref<10001x32xbf16, #tpu.memory_space<hbm>> -> memref<10001x32xbf16, #tpu.memory_space<hbm>>
    tpu.enqueue_indirect_dma source(%dma_start3A_7 : memref<10001x32xbf16, #tpu.memory_space<hbm>>) target(%arg12 : memref<512x32xbf16, #tpu.memory_space<vmem>>) offsets(%arg10 : memref<512xi32, #tpu.memory_space<vmem>>) semaphore(%arg15 : memref<!tpu.dma_semaphore, #tpu.memory_space<semaphore_mem>>)
    "tpu.region"() ({
      %run_scoped3A = tpu.sem_alloc : memref<!tpu.dma_semaphore, #tpu.memory_space<semaphore_mem>>
      %dma_start3A_43 = tpu.memref_slice %arg3[%mul3A_2] : memref<16384xi32, #tpu.memory_space<hbm>> -> memref<512xi32, #tpu.memory_space<hbm>>
      %dma_start3A_44 = tpu.memref_slice %arg3[%mul3A_2] : memref<16384xi32, #tpu.memory_space<hbm>> -> memref<512xi32, #tpu.memory_space<hbm>>
      tpu.enqueue_dma source(%dma_start3A_44 : memref<512xi32, #tpu.memory_space<hbm>>) target(%arg9 : memref<512xi32, #tpu.memory_space<vmem>>) target_semaphore(%run_scoped3A : memref<!tpu.dma_semaphore, #tpu.memory_space<semaphore_mem>>)
      %dma_wait3A_45 = tpu.memref_slice %arg3[%mul3A_2] : memref<16384xi32, #tpu.memory_space<hbm>> -> memref<512xi32, #tpu.memory_space<hbm>>
      %dma_wait3A_46 = tpu.memref_slice %arg3[%mul3A_2] : memref<16384xi32, #tpu.memory_space<hbm>> -> memref<512xi32, #tpu.memory_space<hbm>>
      tpu.wait_dma2 semaphore(%run_scoped3A : memref<!tpu.dma_semaphore, #tpu.memory_space<semaphore_mem>>) src(%dma_wait3A_46 : memref<512xi32, #tpu.memory_space<hbm>>) dst(%arg9 : memref<512xi32, #tpu.memory_space<vmem>>)
      tpu.yield
    }) : () -> ()
    %dma_start3A_8 = arith.constant 0 : i32
    %dma_start3A_9 = arith.constant 0 : i32
    %dma_start3A_10 = tpu.memref_slice %arg6[%dma_start3A_8, %dma_start3A_9] : memref<1001x64xbf16, #tpu.memory_space<hbm>> -> memref<1001x64xbf16, #tpu.memory_space<hbm>>
    tpu.enqueue_indirect_dma source(%dma_start3A_10 : memref<1001x64xbf16, #tpu.memory_space<hbm>>) target(%arg13 : memref<512x64xbf16, #tpu.memory_space<vmem>>) offsets(%arg9 : memref<512xi32, #tpu.memory_space<vmem>>) semaphore(%arg14 : memref<!tpu.dma_semaphore, #tpu.memory_space<semaphore_mem>>)
    %dma_wait3A = arith.constant 0 : i32
    %dma_wait3A_11 = arith.constant 0 : i32
    %dma_wait3A_12 = tpu.memref_slice %arg5[%dma_wait3A, %dma_wait3A_11] : memref<100001x32xbf16, #tpu.memory_space<hbm>> -> memref<100001x32xbf16, #tpu.memory_space<hbm>>
    tpu.wait_indirect_dma semaphore(%arg14 : memref<!tpu.dma_semaphore, #tpu.memory_space<semaphore_mem>>) src(%dma_wait3A_12 : memref<100001x32xbf16, #tpu.memory_space<hbm>>) dst(%arg11 : memref<512x32xbf16, #tpu.memory_space<vmem>>)
    %dma_start3A_13 = arith.constant 0 : i32
    %dma_start3A_14 = tpu.memref_slice %arg8[%mul3A_2, %dma_start3A_13] : memref<16384x128xbf16, #tpu.memory_space<hbm>> -> memref<512x32xbf16, #tpu.memory_space<hbm>>
    %dma_start3A_15 = arith.constant 0 : i32
    %dma_start3A_16 = tpu.memref_slice %arg8[%mul3A_2, %dma_start3A_15] : memref<16384x128xbf16, #tpu.memory_space<hbm>> -> memref<512x32xbf16, #tpu.memory_space<hbm>>
    tpu.enqueue_dma source(%arg11 : memref<512x32xbf16, #tpu.memory_space<vmem>>) target(%dma_start3A_16 : memref<512x32xbf16, #tpu.memory_space<hbm>>) target_semaphore(%arg16 : memref<!tpu.dma_semaphore, #tpu.memory_space<semaphore_mem>>)
    %dma_wait3A_17 = arith.constant 0 : i32
    %dma_wait3A_18 = arith.constant 0 : i32
    %dma_wait3A_19 = tpu.memref_slice %arg7[%dma_wait3A_17, %dma_wait3A_18] : memref<10001x32xbf16, #tpu.memory_space<hbm>> -> memref<10001x32xbf16, #tpu.memory_space<hbm>>
    tpu.wait_indirect_dma semaphore(%arg15 : memref<!tpu.dma_semaphore, #tpu.memory_space<semaphore_mem>>) src(%dma_wait3A_19 : memref<10001x32xbf16, #tpu.memory_space<hbm>>) dst(%arg12 : memref<512x32xbf16, #tpu.memory_space<vmem>>)
    %dma_start3A_20 = arith.constant 96 : i32
    %dma_start3A_21 = tpu.memref_slice %arg8[%mul3A_2, %dma_start3A_20] : memref<16384x128xbf16, #tpu.memory_space<hbm>> -> memref<512x32xbf16, #tpu.memory_space<hbm>>
    %dma_start3A_22 = arith.constant 96 : i32
    %dma_start3A_23 = tpu.memref_slice %arg8[%mul3A_2, %dma_start3A_22] : memref<16384x128xbf16, #tpu.memory_space<hbm>> -> memref<512x32xbf16, #tpu.memory_space<hbm>>
    tpu.enqueue_dma source(%arg12 : memref<512x32xbf16, #tpu.memory_space<vmem>>) target(%dma_start3A_23 : memref<512x32xbf16, #tpu.memory_space<hbm>>) target_semaphore(%arg16 : memref<!tpu.dma_semaphore, #tpu.memory_space<semaphore_mem>>)
    %dma_wait3A_24 = arith.constant 0 : i32
    %dma_wait3A_25 = arith.constant 0 : i32
    %dma_wait3A_26 = tpu.memref_slice %arg6[%dma_wait3A_24, %dma_wait3A_25] : memref<1001x64xbf16, #tpu.memory_space<hbm>> -> memref<1001x64xbf16, #tpu.memory_space<hbm>>
    tpu.wait_indirect_dma semaphore(%arg14 : memref<!tpu.dma_semaphore, #tpu.memory_space<semaphore_mem>>) src(%dma_wait3A_26 : memref<1001x64xbf16, #tpu.memory_space<hbm>>) dst(%arg13 : memref<512x64xbf16, #tpu.memory_space<vmem>>)
    %dma_start3A_27 = arith.constant 32 : i32
    %dma_start3A_28 = tpu.memref_slice %arg8[%mul3A_2, %dma_start3A_27] : memref<16384x128xbf16, #tpu.memory_space<hbm>> -> memref<512x64xbf16, #tpu.memory_space<hbm>>
    %dma_start3A_29 = arith.constant 32 : i32
    %dma_start3A_30 = tpu.memref_slice %arg8[%mul3A_2, %dma_start3A_29] : memref<16384x128xbf16, #tpu.memory_space<hbm>> -> memref<512x64xbf16, #tpu.memory_space<hbm>>
    tpu.enqueue_dma source(%arg13 : memref<512x64xbf16, #tpu.memory_space<vmem>>) target(%dma_start3A_30 : memref<512x64xbf16, #tpu.memory_space<hbm>>) target_semaphore(%arg16 : memref<!tpu.dma_semaphore, #tpu.memory_space<semaphore_mem>>)
    %dma_wait3A_31 = arith.constant 0 : i32
    %dma_wait3A_32 = tpu.memref_slice %arg8[%mul3A_2, %dma_wait3A_31] : memref<16384x128xbf16, #tpu.memory_space<hbm>> -> memref<512x32xbf16, #tpu.memory_space<hbm>>
    %dma_wait3A_33 = arith.constant 0 : i32
    %dma_wait3A_34 = tpu.memref_slice %arg8[%mul3A_2, %dma_wait3A_33] : memref<16384x128xbf16, #tpu.memory_space<hbm>> -> memref<512x32xbf16, #tpu.memory_space<hbm>>
    tpu.wait_dma2 semaphore(%arg16 : memref<!tpu.dma_semaphore, #tpu.memory_space<semaphore_mem>>) src(%arg11 : memref<512x32xbf16, #tpu.memory_space<vmem>>) dst(%dma_wait3A_34 : memref<512x32xbf16, #tpu.memory_space<hbm>>)
    %dma_wait3A_35 = arith.constant 96 : i32
    %dma_wait3A_36 = tpu.memref_slice %arg8[%mul3A_2, %dma_wait3A_35] : memref<16384x128xbf16, #tpu.memory_space<hbm>> -> memref<512x32xbf16, #tpu.memory_space<hbm>>
    %dma_wait3A_37 = arith.constant 96 : i32
    %dma_wait3A_38 = tpu.memref_slice %arg8[%mul3A_2, %dma_wait3A_37] : memref<16384x128xbf16, #tpu.memory_space<hbm>> -> memref<512x32xbf16, #tpu.memory_space<hbm>>
    tpu.wait_dma2 semaphore(%arg16 : memref<!tpu.dma_semaphore, #tpu.memory_space<semaphore_mem>>) src(%arg12 : memref<512x32xbf16, #tpu.memory_space<vmem>>) dst(%dma_wait3A_38 : memref<512x32xbf16, #tpu.memory_space<hbm>>)
    %dma_wait3A_39 = arith.constant 32 : i32
    %dma_wait3A_40 = tpu.memref_slice %arg8[%mul3A_2, %dma_wait3A_39] : memref<16384x128xbf16, #tpu.memory_space<hbm>> -> memref<512x64xbf16, #tpu.memory_space<hbm>>
    %dma_wait3A_41 = arith.constant 32 : i32
    %dma_wait3A_42 = tpu.memref_slice %arg8[%mul3A_2, %dma_wait3A_41] : memref<16384x128xbf16, #tpu.memory_space<hbm>> -> memref<512x64xbf16, #tpu.memory_space<hbm>>
    tpu.wait_dma2 semaphore(%arg16 : memref<!tpu.dma_semaphore, #tpu.memory_space<semaphore_mem>>) src(%arg13 : memref<512x64xbf16, #tpu.memory_space<vmem>>) dst(%dma_wait3A_42 : memref<512x64xbf16, #tpu.memory_space<hbm>>)
    return
  }
}

</mosaic_0001>

<sc_bundles>
// kernel: _sc_features.3.cloned.1.call-start
scs
__scs_entry_jumppad:
0x0: {  	(pc) =	sbr.rel $0x88, $3  }
0x1: {  	(tag) =	ssettag $0x0;
	lr =	simm.s32 $0x1  }
0x2: {  	[smem:$0x3F9B] =	sst lr;
	_ =	strace $0xD0000000  }
0x3: {  	_ = 	snop  }
0x4: {  	_ = 	snop  }
0x5: {  	_ = 	snop  }
0x6: {  	_ = 	snop  }
0x7: {  	_ = 	snop  }
__scs_overlays_trampoline_lowered:
0x8: {  	[smem:$0x3FAA] =	sst s0  }
0x9: {  	[smem:$0x3FAB] =	sst s1  }
0xa: {  	[smem:$0x3FAC] =	sst s2  }
0xb: {  	[smem:$0x3FAD] =	sst s3  }
0xc: {  	[smem:$0x3FAE] =	sst s4  }
0xd: {  	[smem:$0x3FAF] =	sst s5  }
0xe: {  	[smem:$0x3FB0] =	sst s6  }
0xf: {  	[smem:$0x3FB1] =	sst s7  }
0x10: {  	[smem:$0x3FB2] =	sst s8  }
0x11: {  	[smem:$0x3FB3] =	sst s9;
	s0 =	simm.s32 @!p0 $0x0  }
0x12: {  	s1 =	sld [smem:$0x3F99];
	s0 =	simm.s32 @p0 $0x1  }
0x13: {  	[smem:$0x3FB4] =	sst s0;
	s0 =	simm.s32 @!p1 $0x0  }
0x14: {  	s2 =	sld [smem:$0x3F98];
	s0 =	simm.s32 @p1 $0x1  }
0x15: {  	[smem:$0x3FB5] =	sst s0;
	s0 =	simm.s32 @!p2 $0x0  }
0x16: {  	s3 =	sld [smem:$0x3FDB];
	s0 =	simm.s32 @p2 $0x1  }
0x17: {  	s4 =	simm.s32 $0x1BF5;
	[smem:$0x3FB7] =	sst s0  }
0x18: {  	s0 =	sld [smem:$0x3F9A];
	_ =	swait.ge [sflag:s4], $0x0  }
0x19: {  	s7 =	sld [smem:$0x3F9B]  }
0x1a: {  	s8 =	sadd.s32 $0xFFFFE003, lr  }
0x1b: {  	s9 =	sadd.s32 $0xFFFFFEF7, lr;
	s5 =	simm.s32 $0xFFFFFFFF;
	p2 =	slt.u32 s8, $0xFFFFF086  }
0x1c: {  	p1 =	slt.u32 s9, $0xF7A;
	s5 =	simm.s32 @!p2 $0x0  }
0x1d: {  	s5 =	simm.s32 @p1 $0x1;
	p0 =	seq.s32 s7, s2  }
0x1e: {  	s7 =	smul.u32 @!p0 $0xF7A, s2;
	p2 =	seq.s32 @!p0 s5, $0x0  }
0x1f: {  	s9 =	smul.u32 $0xF7A, s1;
	s8 =	simm.s32 @!p0 $0x1BF5;
	p2 =	por !p2, p0  }
0x20: {  	[sflag:s8] =	ssyncset.s32 @!p0 $0xFFFFF086;
	s6 =	sadd.s32 @!p0 s3, s7;
	s7 =	simm.s32 @!p0 $0x108  }
0x21: {  	s3 =	sadd.s32 s3, s9;
	s6 =	sadd.s32 @!p0 $0x88, s6;
	s7 =	simm.s32 @p2 $0x1082  }
0x22: {  	[simem:s7], [sflag:s8] =	dma.local @!p0 [hbm:s6], $0xF7A  }
0x23: {  	s9 =	sor.u32 $0xD0000000, s2;
	s6 =	simm.s32 $0x108;
	_ =	swait.ge @!p0 [sflag:s8], $0x0  }
0x24: {  	s3 =	sadd.s32 $0x88, s3;
	s6 =	simm.s32 @!p1 $0x1082;
	[sflag:s4] =	ssyncset.s32 $0xFFFFF086  }
0x25: {  	[simem:s6], [sflag:s4] =	dma.local [hbm:s3], $0xF7A  }
0x26: {  	[smem:$0x3F9B] =	sst s1;
	(tag) =	ssettag s2;
	_ =	strace s9  }
0x27: {  	s1 =	sld [smem:$0x3FAB]  }
0x28: {  	s2 =	sld [smem:$0x3FAC]  }
0x29: {  	s4 =	sld [smem:$0x3FAE]  }
0x2a: {  	p0 =	seq.s32 s5, $0x0;
	s5 =	sld [smem:$0x3FAF]  }
0x2b: {  	s6 =	sld [smem:$0x3FB0]  }
0x2c: {  	s7 =	sld [smem:$0x3FB1]  }
0x2d: {  	s3 =	simm.s32 $0x108;
	s8 =	sld [smem:$0x3FB2]  }
0x2e: {  	s3 =	simm.s32 @!p0 $0x1082;
	s9 =	sld [smem:$0x3FB3]  }
0x2f: {  	lr =	sadd.s32 s0, s3;
	s0 =	sld [smem:$0x3FAA]  }
0x30: {  	s3 =	sld [smem:$0x3FAD]  }
0x31: {  	[smem:$0x3FB6] =	sst s10  }
0x32: {  	s10 =	sld [smem:$0x3FB4];
	_ =	sdelay $0x3  }
0x33: {  	p0 =	seq.s32 s10, $0x1;
	s10 =	sld [smem:$0x3FB6];
	_ =	sdelay $0x3  }
0x34: {  	[smem:$0x3FB6] =	sst s10  }
0x35: {  	s10 =	sld [smem:$0x3FB5];
	_ =	sdelay $0x3  }
0x36: {  	p1 =	seq.s32 s10, $0x1;
	s10 =	sld [smem:$0x3FB6];
	_ =	sdelay $0x3  }
0x37: {  	[smem:$0x3FB6] =	sst s10  }
0x38: {  	s10 =	sld [smem:$0x3FB7]  }
0x39: {  	_ = 	snop;
	(pc) =	sbr.ind lr, $3  }
0x3a: {  	_ = 	snop  }
0x3b: {  	_ = 	snop  }
0x3c: {  	p2 =	seq.s32 s10, $0x1;
	s10 =	sld [smem:$0x3FB6]  }
0x3d: {  	_ =	shalt  }
0x3e: {  	_ =	shalt  }
0x3f: {  	_ =	shalt  }
0x40: {  	_ =	shalt  }
0x41: {  	_ =	shalt  }
0x42: {  	_ =	shalt  }
0x43: {  	_ =	shalt  }
0x44: {  	_ =	shalt  }
0x45: {  	_ =	shalt  }
0x46: {  	_ =	shalt  }
0x47: {  	_ =	shalt  }
0x48: {  	_ =	shalt  }
0x49: {  	_ =	shalt  }
0x4a: {  	_ =	shalt  }
0x4b: {  	_ =	shalt  }
0x4c: {  	_ =	shalt  }
0x4d: {  	_ =	shalt  }
0x4e: {  	_ =	shalt  }
0x4f: {  	_ =	shalt  }
0x50: {  	_ =	shalt  }
0x51: {  	_ =	shalt  }
0x52: {  	_ =	shalt  }
0x53: {  	_ =	shalt  }
0x54: {  	_ =	shalt  }
0x55: {  	_ =	shalt  }
0x56: {  	_ =	shalt  }
0x57: {  	_ =	shalt  }
0x58: {  	_ =	shalt  }
0x59: {  	_ =	shalt  }
0x5a: {  	_ =	shalt  }
0x5b: {  	_ =	shalt  }
0x5c: {  	_ =	shalt  }
0x5d: {  	_ =	shalt  }
0x5e: {  	_ =	shalt  }
0x5f: {  	_ =	shalt  }
0x60: {  	_ =	shalt  }
0x61: {  	_ =	shalt  }
0x62: {  	_ =	shalt  }
0x63: {  	_ =	shalt  }
0x64: {  	_ =	shalt  }
0x65: {  	_ =	shalt  }
0x66: {  	_ =	shalt  }
0x67: {  	_ =	shalt  }
0x68: {  	_ =	shalt  }
0x69: {  	_ =	shalt  }
0x6a: {  	_ =	shalt  }
0x6b: {  	_ =	shalt  }
0x6c: {  	_ =	shalt  }
0x6d: {  	_ =	shalt  }
0x6e: {  	_ =	shalt  }
0x6f: {  	_ =	shalt  }
0x70: {  	_ =	shalt  }
0x71: {  	_ =	shalt  }
0x72: {  	_ =	shalt  }
0x73: {  	_ =	shalt  }
0x74: {  	_ =	shalt  }
0x75: {  	_ =	shalt  }
0x76: {  	_ =	shalt  }
0x77: {  	_ =	shalt  }
0x78: {  	_ =	shalt  }
0x79: {  	_ =	shalt  }
0x7a: {  	_ =	shalt  }
0x7b: {  	_ =	shalt  }
0x7c: {  	_ =	shalt  }
0x7d: {  	_ =	shalt  }
0x7e: {  	_ =	shalt  }
0x7f: {  	_ =	shalt  }
0x80: {  	_ =	shalt  }
0x81: {  	_ =	shalt  }
0x82: {  	_ =	shalt  }
0x83: {  	_ =	shalt  }
0x84: {  	_ =	shalt  }
0x85: {  	_ =	shalt  }
0x86: {  	_ =	shalt  }
0x87: {  	_ =	shalt  }
.Lfunc_end0:
.L_simem_size_0:
called_computation_lowered:
.L_overlay_start_0:
0x88: {  	s2 =	sld [smem:$0x3FD9]  }
0x89: {  	s3 =	sld [smem:$0x3FFE];
	_ =	sdelay $0x1  }
0x8a: {  	s1 =	srdreg.scid  }
0x8b: {  	s0 =	sand.u32 $0x1, s1  }
0x8c: {  	s17 =	sshll.u32 s0, $0xA;
	s2 =	sadd.s32 s3, s2  }
0x8d: {  	s2 =	sadd.s32 s2, s17  }
0x8e: {  	[smem:$0x3FC2] =	sst s2  }
0x8f: {  	_ = 	snop  }
0x90: {  	s2 =	sld [smem:$0x3FC9]  }
0x91: {  	s18 =	sld [smem:$0x3FC8]  }
0x92: {  	s4 =	sld [smem:$0x3FC7]  }
0x93: {  	s5 =	sld [smem:$0x3FD0];
	(tm) =	ssettm $0x1  }
0x94: {  	s6 =	sld [smem:$0x3FFB];
	_ =	sdelay $0x3  }
0x95: {  	_ =	strace s6  }
0x96: {  	s6 =	sld [smem:$0x3FFC];
	_ =	sdelay $0x3  }
0x97: {  	_ =	strace s6  }
0x98: {  	s6 =	sld [smem:$0x3FFD];
	_ =	sdelay $0x3  }
0x99: {  	_ =	strace s6  }
0x9a: {  	_ =	strace $0x8FFFFFFF  }
0x9b: {  	s19 =	sld [smem:$0x3FDB];
	_ =	sdelay $0x1  }
0x9c: {  	s7 =	simm.s32 $_scs_section_size  }
0x9d: {  	s8 =	simm.s32 $_size__tile_overlayer_lowered;
	s9 =	simm.s32 $_tile_overlayer_lowered  }
0x9e: {  	s22 =	simm.s32 $0x1BFF;
	s21 =	sshll.u32 s9, $0x1;
	s6 =	sadd.s32 s7, s19  }
0x9f: {  	s10 =	simm.s32 $0x0;
	s20 =	sshll.u32 s8, $0x1;
	s8 =	sadd.s32 s21, s6  }
0xa0: {  	[timem:s10], [sflag:s22] =	dma.local [hbm:s8], s20  }
0xa1: {  	_ =	swait.ge [sflag:s22], s20  }
0xa2: {  	s7 =	ssub.s32 $0x0, s20;
	[sflag:s22] =	ssyncset.done $0x0  }
0xa3: {  	[sflag:s22] =	ssyncadd.s32 s7;
	_ =	sdelay $0x1  }
0xa4: {  	s23 =	simm.s32 $0x1B8B  }
0xa5: {  	_ =	swait.ge [sflag:s23], $0x1  }
0xa6: {  	[sflag:s23] =	ssyncset.done $0x0  }
0xa7: {  	s25 =	simm.s32 $0x1B8E;
	s24 =	sld [smem:$0x3FFE];
	[sflag:s23] =	ssyncadd.s32 $0xFFFFFFFF  }
0xa8: {  	s26 =	simm.s32 $execute0_lowered;
	[smem:$0x3FD2] =	sst s25  }
0xa9: {  	s8 =	sshll.u32 s26, $0x1;
	_ =	strace $0x80000046;
	[dreg:$0x1] =	wrdreg $0xFFFFFFFF  }
0xaa: {  	s28 =	simm.s32 $_size_execute0_lowered;
	s6 =	sadd.s32 s6, s8;
	[dreg:$0x0] =	wrdreg $0x0  }
0xab: {  	s8 =	sshll.u32 s28, $0x1;
	[dreg:$0x2] =	wrdreg s6  }
0xac: {  	[dreg:$0x3] =	wrdreg s8  }
0xad: {  	[dreg:$0x4] =	wrdreg $0xC0  }
0xae: {  	_ =	task [dreg:s10], $0x5FFFF  }
0xaf: {  	[dreg:$0x1] =	wrdreg $0xFFFFFFFF  }
0xb0: {  	[dreg:$0x0] =	wrdreg $0x60  }
0xb1: {  	[dreg:$0x2] =	wrdreg s2  }
0xb2: {  	[dreg:$0x3] =	wrdreg s18  }
0xb3: {  	[dreg:$0x4] =	wrdreg s4  }
0xb4: {  	[dreg:$0x5] =	wrdreg s24  }
0xb5: {  	[dreg:$0x6] =	wrdreg s5  }
0xb6: {  	[dreg:$0x7] =	wrdreg $0x9  }
0xb7: {  	_ =	task.clear_ibuf [dreg:s10], $0x8FFFF;
	_ =	strace $0x90000046  }
0xb8: {  	s29 =	simm.s32 $0x9;
	_ =	strace $0x80000048  }
0xb9: {  	_ =	swait.ge [sflag:s29], $0x1  }
0xba: {  	[sflag:s29] =	ssyncadd.s32 $0xFFFFFFFF  }
0xbb: {  	_ =	strace $0x90000048  }
0xbc: {  	_ =	sfence  }
0xbd: {  	s30 =	sld [smem:$0x0];
	_ =	sdelay $0x2  }
0xbe: {  	s31 =	sshll.u32 s1, $0xD;
	s1 =	sshrl.u32 s1, $0x2  }
0xbf: {  	s3 =	sand.u32 $0x4000, s31;
	s1 =	sadd.s32 s1, s30  }
0xc0: {  	s0 =	sor.u32 s3, s0;
	s1 =	sshll.u32 s1, $0x11  }
0xc1: {  	s0 =	sor.u32 s1, s0  }
0xc2: {  	s0 =	sadd.s32 $0x8F2B, s0  }
0xc3: {  	[sflag:s0] =	ssyncadd.remote.s32 $0x1  }
0xc4: {  	_ =	sfence.sel $0xFFFF  }
0xc5: {  	[dreg:$0x0] =	wrdreg $0xFFFFFFFF;
	(pc) =	sbr.abs _section_cstart, $3  }
0xc6: {  	[dreg:$0x1] =	wrdreg $0xFFFFFFFF  }
0xc7: {  	_ =	task.clear_ibuf [dreg:s10], $0x2FFFF;
	_ =	strace $0x9FFFFFFF  }
0xc8: {  	(tm) =	ssettm $0x7FFFFFFF  }
0xc9: {  	_ =	shalt  }
tec
execute0_lowered:
.L_overlay_start_1:
0x0: {  	(tag) =	ssettag $0x1  }
0x1: {  	s3 =	rddreg [dreg:$0x0]  }
0x2: {  	s11 =	rddreg [dreg:$0x1]  }
0x3: {  	s8 =	rddreg [dreg:$0x2];
	s1 =	srdreg.scid  }
0x4: {  	s12 =	rddreg [dreg:$0x3];
	s0 =	stileid.u32;
	s23 =	sand.u32 $0x1, s1  }
0x5: {  	s15 =	rddreg [dreg:$0x4];
	s4 =	sshll.u32 s0, $0xA;
	s5 =	sshll.u32 s23, $0x9  }
0x6: {  	s2 =	simm.s32 $0x0;
	s1 =	rddreg [dreg:$0x5];
	s16 =	sor.u32 s5, s4  }
0x7: {  	[smem:$0x7FF] =	sst s2;
	s13 =	sshrl.u32 s16, $0x3  }
0x8: {  	_ =	strace $0x80000047;
	s4 =	simm.s32 $0x4;
	s3 =	sadd.s32 s3, s13  }
0x9: {  	[tilespmem:s2], [sflag:$0x4] =	stream.linear.gather [hbm4b:s3+s2], $0x200, $0x38;
	[tilespmem:$0x8400] =	vst v63  }
0xa: {  	_ =	swait.ge [sflag:s4], $0x200  }
0xb: {  	s6 =	simm.s32 $0x200;
	[sflag:s4] =	ssyncset.done $0x0  }
0xc: {  	s7 =	simm.s32 $0x400;
	s5 =	sadd.s32 $0x800, s12;
	[sflag:s4] =	ssyncadd.s32 $0xFFFFFE00  }
0xd: {  	[tilespmem:s7], [sflag:$0x1] =	stream.indirect.gather [hbm4b:s5+s6], $0x10, s2, s6, $0xb8;
	[tilespmem:$0x8400] =	vst v63  }
0xe: {  	s8 =	sadd.s32 s8, s13  }
0xf: {  	[tilespmem:s6], [sflag:$0x4] =	stream.linear.gather [hbm4b:s8+s2], $0x200, $0x38;
	[tilespmem:$0x8400] =	vst v63  }
0x10: {  	_ =	swait.ge [sflag:s4], $0x200  }
0x11: {  	[sflag:s4] =	ssyncset.done $0x0  }
0x12: {  	s10 =	simm.s32 $0x2400;
	s9 =	sadd.s32 $0x31600, s12;
	[sflag:s4] =	ssyncadd.s32 $0xFFFFFE00  }
0x13: {  	[tilespmem:s10], [sflag:$0x2] =	stream.indirect.gather [hbm4b:s9+s6], $0x10, s6, s6, $0xb8;
	[tilespmem:$0x8400] =	vst v63  }
0x14: {  	s11 =	sadd.s32 s11, s13  }
0x15: {  	[tilespmem:s2], [sflag:$0x4] =	stream.linear.gather [hbm4b:s11+s2], $0x200, $0x38;
	[tilespmem:$0x8400] =	vst v63  }
0x16: {  	_ =	swait.ge [sflag:s4], $0x200  }
0x17: {  	s14 =	simm.s32 $0x1;
	[sflag:s4] =	ssyncset.done $0x0  }
0x18: {  	s12 =	sadd.s32 $0x36600, s12;
	s13 =	simm.s32 $0x4400;
	[sflag:s4] =	ssyncadd.s32 $0xFFFFFE00  }
0x19: {  	[tilespmem:s13], [sflag:$0x1] =	stream.indirect.gather [hbm4b:s12+s6], $0x20, s2, s6, $0xb8;
	[tilespmem:$0x8400] =	vst v63  }
0x1a: {  	s17 =	simm.s32 $0x40;
	_ =	swait.ge [sflag:s14], $0x2000  }
0x1b: {  	s18 =	simm.s32 $0x2;
	s16 =	sshll.u32 s16, $0x3;
	[sflag:s14] =	ssyncset.done $0x0  }
0x1c: {  	s15 =	sadd.s32 s15, s16;
	s16 =	simm.s32 $0x10;
	[sflag:s14] =	ssyncadd.s32 $0xFFFFE000  }
0x1d: {  	[hbm4b:s15+s16] =	stream.strided.scatter [tilespmem:s7], [sflag:$0x3], $0x2000, s17, s16, $0x38;
	[tilespmem:$0x8400] =	vst v63  }
0x1e: {  	_ =	swait.ge [sflag:s18], $0x2000  }
0x1f: {  	[sflag:s18] =	ssyncset.done $0x0  }
0x20: {  	s19 =	sadd.s32 $0x6, s15;
	[sflag:s18] =	ssyncadd.s32 $0xFFFFE000  }
0x21: {  	[hbm4b:s19+s16] =	stream.strided.scatter [tilespmem:s10], [sflag:$0x3], $0x2000, s17, s16, $0x38;
	[tilespmem:$0x8400] =	vst v63  }
0x22: {  	s22 =	simm.s32 $0x20;
	_ =	swait.ge [sflag:s14], $0x4000  }
0x23: {  	s21 =	simm.s32 $0x3;
	s23 =	ssub.s32 $0x2, s23;
	[sflag:s14] =	ssyncset.done $0x0  }
0x24: {  	s24 =	sshrl.u32 s23, $0x1;
	s20 =	sadd.s32 $0x2, s15;
	[sflag:s14] =	ssyncadd.s32 $0xFFFFC000  }
0x25: {  	[hbm4b:s20+s22] =	stream.strided.scatter [tilespmem:s13], [sflag:$0x3], $0x4000, s17, s22, $0x38;
	[tilespmem:$0x8400] =	vst v63  }
0x26: {  	s23 =	ssub.s32 s23, s24;
	_ =	swait.ge [sflag:s21], $0x2000  }
0x27: {  	s23 =	smax.u32 s23, $0x1;
	[sflag:s21] =	ssyncset.done $0x0  }
0x28: {  	p0 =	sne.s32 s23, $0x1;
	[sflag:s21] =	ssyncadd.s32 $0xFFFFE000  }
.Ltmp0:
0x29: {  	_ =	swait.ge [sflag:s21], $0x2000;
	(pc) =	sbr.rel @!p0 .LBB2_2-.Ltmp0, $4  }
0x2a: {  	[sflag:s21] =	ssyncset.done $0x0  }
0x2b: {  	[sflag:s21] =	ssyncadd.s32 $0xFFFFE000  }
0x2c: {  	_ =	swait.ge [sflag:s21], $0x4000  }
0x2d: {  	s23 =	sadd.s32 $0xFFFFFFFF, s23;
	[sflag:s21] =	ssyncset.done $0x0  }
.LBB2_1:
0x2e: {  	p0 =	sne.s32 s23, $0x1;
	s23 =	sadd.s32 $0xFFFFFFFF, s23;
	[sflag:s21] =	ssyncadd.s32 $0xFFFFC000  }
0x2f: {  	[tilespmem:s2], [sflag:$0x4] =	stream.linear.gather [hbm4b:s3+s2], $0x200, $0x38;
	[tilespmem:$0x8400] =	vst v63  }
0x30: {  	_ =	swait.ge [sflag:s4], $0x200  }
0x31: {  	[sflag:s4] =	ssyncset.done $0x0  }
0x32: {  	[sflag:s4] =	ssyncadd.s32 $0xFFFFFE00  }
0x33: {  	[tilespmem:s7], [sflag:$0x1] =	stream.indirect.gather [hbm4b:s5+s6], $0x10, s2, s6, $0xb8;
	[tilespmem:$0x8400] =	vst v63  }
0x34: {  	_ = 	snop  }
0x35: {  	[tilespmem:s6], [sflag:$0x4] =	stream.linear.gather [hbm4b:s8+s2], $0x200, $0x38;
	[tilespmem:$0x8400] =	vst v63  }
0x36: {  	_ =	swait.ge [sflag:s4], $0x200  }
0x37: {  	[sflag:s4] =	ssyncset.done $0x0  }
0x38: {  	[sflag:s4] =	ssyncadd.s32 $0xFFFFFE00  }
0x39: {  	[tilespmem:s10], [sflag:$0x2] =	stream.indirect.gather [hbm4b:s9+s6], $0x10, s6, s6, $0xb8;
	[tilespmem:$0x8400] =	vst v63  }
0x3a: {  	_ = 	snop  }
0x3b: {  	[tilespmem:s2], [sflag:$0x4] =	stream.linear.gather [hbm4b:s11+s2], $0x200, $0x38;
	[tilespmem:$0x8400] =	vst v63  }
0x3c: {  	_ =	swait.ge [sflag:s4], $0x200  }
0x3d: {  	[sflag:s4] =	ssyncset.done $0x0  }
0x3e: {  	[sflag:s4] =	ssyncadd.s32 $0xFFFFFE00  }
0x3f: {  	[tilespmem:s13], [sflag:$0x1] =	stream.indirect.gather [hbm4b:s12+s6], $0x20, s2, s6, $0xb8;
	[tilespmem:$0x8400] =	vst v63  }
0x40: {  	_ =	swait.ge [sflag:s14], $0x2000  }
0x41: {  	[sflag:s14] =	ssyncset.done $0x0  }
0x42: {  	[sflag:s14] =	ssyncadd.s32 $0xFFFFE000  }
0x43: {  	[hbm4b:s15+s16] =	stream.strided.scatter [tilespmem:s7], [sflag:$0x3], $0x2000, s17, s16, $0x38;
	[tilespmem:$0x8400] =	vst v63  }
0x44: {  	_ =	swait.ge [sflag:s18], $0x2000  }
0x45: {  	[sflag:s18] =	ssyncset.done $0x0  }
0x46: {  	[sflag:s18] =	ssyncadd.s32 $0xFFFFE000  }
0x47: {  	[hbm4b:s19+s16] =	stream.strided.scatter [tilespmem:s10], [sflag:$0x3], $0x2000, s17, s16, $0x38;
	[tilespmem:$0x8400] =	vst v63  }
0x48: {  	_ =	swait.ge [sflag:s14], $0x4000  }
0x49: {  	[sflag:s14] =	ssyncset.done $0x0  }
0x4a: {  	[sflag:s14] =	ssyncadd.s32 $0xFFFFC000  }
0x4b: {  	[hbm4b:s20+s22] =	stream.strided.scatter [tilespmem:s13], [sflag:$0x3], $0x4000, s17, s22, $0x38;
	[tilespmem:$0x8400] =	vst v63  }
0x4c: {  	_ =	swait.ge [sflag:s21], $0x2000  }
0x4d: {  	[sflag:s21] =	ssyncset.done $0x0  }
0x4e: {  	[sflag:s21] =	ssyncadd.s32 $0xFFFFE000  }
.Ltmp1:
0x4f: {  	_ =	swait.ge [sflag:s21], $0x2000;
	(pc) =	sbr.rel @p0 .LBB2_1-.Ltmp1, $4  }
0x50: {  	[sflag:s21] =	ssyncset.done $0x0  }
0x51: {  	[sflag:s21] =	ssyncadd.s32 $0xFFFFE000  }
0x52: {  	_ =	swait.ge [sflag:s21], $0x4000  }
0x53: {  	[sflag:s21] =	ssyncset.done $0x0  }
.LBB2_2:
0x54: {  	[sflag:s21] =	ssyncadd.s32 $0xFFFFC000  }
0x55: {  	_ =	sfence.sel $0x180000  }
0x56: {  	[bflag:$0x0] =	sbarrier.arrive $0xFFFF  }
0x57: {  	p0 =	sne.s32 s0, $0x0;
	_ =	strace $0x90000047  }
0x58: {  	s0 =	sadd.s32 @!p0 $0x100000, s1;
	[bflag:$0x2] =	sbarrier.arrive $0xFFFF  }
0x59: {  	[sflag:s0] =	ssyncadd.tile.s32 @!p0 $0x1;
	_ =	shalt  }
.Lfunc_end2:
_tile_overlayer_lowered:
.L_overlay_start_2:
0x5a: {  	(tag) =	ssettag $0x2  }
0x5b: {  	s0 =	rddreg [dreg:$0x0];
	s2 =	stileid.u32  }
0x5c: {  	s1 =	rddreg [dreg:$0x1];
	p0 =	sne.s32 s2, $0x0  }
0x5d: {  	s3 =	rddreg [dreg:$0x2];
	[bflag:$0x3] =	sbarrier.arrive $0xFFFF;
	s2 =	simm.s32 @!p0 $0x1C04  }
0x5e: {  	[timem:s3], [sflag:s2] =	dma.local @!p0 [hbm:s0], s1  }
0x5f: {  	s0 =	simm.s32 @!p0 $0x4  }
0x60: {  	_ =	swait.ge @!p0 [sflag:s0], s1  }
0x61: {  	s1 =	ssub.s32 @!p0 $0x0, s1;
	[sflag:s0] =	ssyncset.done @!p0 $0x0  }
0x62: {  	[sflag:s0] =	ssyncadd.s32 @!p0 s1  }
0x63: {  	[bflag:$0x3] =	sbarrier.arrive $0xFFFF  }
0x64: {  	_ =	shalt  }

</sc_bundles>
